<compile_context>
chip_gen: v7x
topology: tpu7x:2x2x1
jax: 0.10.2.dev20260603
libtpu: 0.0.44.dev20260713+nightly
codegen_flags: <defaults>
</compile_context>

<pallas_src>
import functools

import jax
import jax.numpy as jnp
from jax import lax
from jax.experimental import pallas as pl
from jax.experimental.pallas import tpu as pltpu
from jax.experimental.pallas import tpu_sc as plsc

EPS = 1e-5

_NUM_CORES = 2
_NUM_SUBCORES = 16
_NW = _NUM_CORES * _NUM_SUBCORES

_CHUNK = 128


def _ln_block(tab_ref, gamma_ref, beta_ref, out_ref):
    x = tab_ref[...]
    mean = jnp.mean(x, axis=-1, keepdims=True)
    xc = x - mean
    var = jnp.mean(xc * xc, axis=-1, keepdims=True)
    inv = lax.rsqrt(var + EPS)
    out_ref[...] = xc * inv * gamma_ref[...] + beta_ref[...]


def _normalize_table(table, gamma, beta):
    v, d = table.shape
    blk = 1000
    grid = v // blk
    return pl.pallas_call(
        _ln_block,
        grid=(grid,),
        in_specs=[
            pl.BlockSpec((blk, d), lambda i: (i, 0)),
            pl.BlockSpec((1, d), lambda i: (0, 0)),
            pl.BlockSpec((1, d), lambda i: (0, 0)),
        ],
        out_specs=pl.BlockSpec((blk, d), lambda i: (i, 0)),
        out_shape=jax.ShapeDtypeStruct((v, d), table.dtype),
    )(table, gamma.reshape(1, d), beta.reshape(1, d))


def _gather_rows(ids_flat, table_n):
    n = ids_flat.shape[0]
    d = table_n.shape[1]
    per_w = n // _NW
    n_chunks = per_w // _CHUNK
    mesh = plsc.VectorSubcoreMesh(core_axis_name="c", subcore_axis_name="s")

    @functools.partial(
        pl.kernel,
        mesh=mesh,
        out_type=jax.ShapeDtypeStruct((n, d), jnp.float32),
        scratch_types=[
            pltpu.VMEM((_CHUNK,), jnp.int32),
            pltpu.VMEM((_CHUNK, d), jnp.float32),
            pltpu.SemaphoreType.DMA,
        ],
    )
    def k(ids_hbm, tab_hbm, out_hbm, idx_v, rows_v, sem):
        wid = lax.axis_index("s") * _NUM_CORES + lax.axis_index("c")
        base = wid * per_w

        def step(i, carry):
            off = base + i * _CHUNK
            pltpu.sync_copy(ids_hbm.at[pl.ds(off, _CHUNK)], idx_v)
            pltpu.async_copy(tab_hbm.at[idx_v], rows_v, sem).wait()
            pltpu.sync_copy(rows_v, out_hbm.at[pl.ds(off, _CHUNK)])
            return carry

        lax.fori_loop(0, n_chunks, step, 0)

    return k(ids_flat, table_n)


def kernel(input_ids, table, gamma, beta):
    b, l = input_ids.shape
    d = table.shape[1]
    table_n = _normalize_table(table, gamma, beta)
    ids_flat = input_ids.reshape(b * l).astype(jnp.int32)
    out = _gather_rows(ids_flat, table_n)
    return out.reshape(b, l, d)

# --- scband reference (transcript-rebuilt; emitter-appended) ---
"""Pipeline reference for scband-input-embedding-26439818674446 (READ-ONLY COPY).

The authoritative reference and input builder live on the scoring server;
editing this copy changes nothing except your own understanding.
"""

import jax, jax.numpy as jnp
import numpy as np

VOCAB = 100000
DIM = 128
B = 4096
L = 200
EPS = 1e-5

def setup_inputs(seed: int = 0) -> dict:
    key = jax.random.key(seed)
    k_idx, k_tab = jax.random.split(key)
    input_ids = jax.random.randint(k_idx, (B, L), 0, VOCAB, dtype=jnp.int64 if jax.config.read('jax_enable_x64') else jnp.int32)
    table = jax.random.normal(k_tab, (VOCAB, DIM), dtype=jnp.float32)
    gamma = jnp.ones((DIM,), dtype=jnp.float32)
    beta = jnp.zeros((DIM,), dtype=jnp.float32)
    return {"input_ids": input_ids, "table": table, "gamma": gamma, "beta": beta}

def reference(input_ids, table, gamma, beta):
    # token embedding lookup (gather)
    emb = jnp.take(table, input_ids, axis=0)  # [B, L, DIM]
    # layer norm over last dim
    mean = jnp.mean(emb, axis=-1, keepdims=True)
    var = jnp.mean(jnp.square(emb - mean), axis=-1, keepdims=True)
    normed = (emb - mean) / jnp.sqrt(var + EPS)
    out = normed * gamma + beta
    # dropout is identity in inference/eval mode
    return out

if __name__ == "__main__":
    import jax
    _d = setup_inputs()
    print(jax.jit(kernel)(*tuple(_d.values())))

</pallas_src>

<mosaic_0001>
#map = affine_map<(d0, d1) -> (0)>
#map1 = affine_map<(d0, d1) -> (0, 0)>
module attributes {stable_mosaic.version = 14 : i64} {
  func.func @k(%arg0: i32, %arg1: i32, %arg2: memref<819200xi32, #tpu.memory_space<hbm>>, %arg3: memref<100000x128xf32, #tpu.memory_space<hbm>>, %arg4: memref<819200x128xf32, #tpu.memory_space<hbm>>, %arg5: memref<128xi32, #tpu.memory_space<vmem>>, %arg6: memref<128x128xf32, #tpu.memory_space<vmem>>, %arg7: memref<!tpu.dma_semaphore, #tpu.memory_space<semaphore_mem>>) attributes {dimension_semantics = [#tpu.dimension_semantics<core_parallel>, #tpu.dimension_semantics<subcore_parallel>], iteration_bounds = array<i64: 2, 16>, scalar_prefetch = 0 : i64, scratch_operands = 3 : i64, tpu.core_type = #tpu.core_type<sc_vector_subcore>, window_params = [{transform_indices = #map}, {transform_indices = #map1}, {transform_indices = #map1}]} {
    %mul3A = arith.constant 2 : i32
    %mul3A_0 = arith.muli %arg1, %mul3A : i32
    %add3A = arith.addi %mul3A_0, %arg0 : i32
    %mul3A_1 = arith.constant 25600 : i32
    %mul3A_2 = arith.muli %add3A, %mul3A_1 : i32
    %scan3A = arith.constant 0 : i32
    %scan3A_3 = arith.constant 0 : i32
    %scan3A_4 = arith.constant 200 : i32
    %scan3A_5 = arith.addi %scan3A_3, %scan3A_4 : i32
    %scan3A_6 = arith.constant 1 : i32
    scf.for %scan3A_8 = %scan3A_3 to %scan3A_5 step %scan3A_6  : i32 {
      %mul3A_9 = arith.constant 128 : i32
      %mul3A_10 = arith.muli %scan3A_8, %mul3A_9 : i32
      %add3A_11 = arith.addi %mul3A_2, %mul3A_10 : i32
      "tpu.region"() ({
        %run_scoped3A = tpu.sem_alloc : memref<!tpu.dma_semaphore, #tpu.memory_space<semaphore_mem>>
        %dma_start3A_16 = tpu.memref_slice %arg2[%add3A_11] : memref<819200xi32, #tpu.memory_space<hbm>> -> memref<128xi32, #tpu.memory_space<hbm>>
        %dma_start3A_17 = tpu.memref_slice %arg2[%add3A_11] : memref<819200xi32, #tpu.memory_space<hbm>> -> memref<128xi32, #tpu.memory_space<hbm>>
        tpu.enqueue_dma source(%dma_start3A_17 : memref<128xi32, #tpu.memory_space<hbm>>) target(%arg5 : memref<128xi32, #tpu.memory_space<vmem>>) target_semaphore(%run_scoped3A : memref<!tpu.dma_semaphore, #tpu.memory_space<semaphore_mem>>)
        %dma_wait3A_18 = tpu.memref_slice %arg2[%add3A_11] : memref<819200xi32, #tpu.memory_space<hbm>> -> memref<128xi32, #tpu.memory_space<hbm>>
        %dma_wait3A_19 = tpu.memref_slice %arg2[%add3A_11] : memref<819200xi32, #tpu.memory_space<hbm>> -> memref<128xi32, #tpu.memory_space<hbm>>
        tpu.wait_dma2 semaphore(%run_scoped3A : memref<!tpu.dma_semaphore, #tpu.memory_space<semaphore_mem>>) src(%dma_wait3A_19 : memref<128xi32, #tpu.memory_space<hbm>>) dst(%arg5 : memref<128xi32, #tpu.memory_space<vmem>>)
        tpu.yield
      }) : () -> ()
      %dma_start3A = arith.constant 0 : i32
      %dma_start3A_12 = arith.constant 0 : i32
      %dma_start3A_13 = tpu.memref_slice %arg3[%dma_start3A, %dma_start3A_12] : memref<100000x128xf32, #tpu.memory_space<hbm>> -> memref<100000x128xf32, #tpu.memory_space<hbm>>
      tpu.enqueue_indirect_dma source(%dma_start3A_13 : memref<100000x128xf32, #tpu.memory_space<hbm>>) target(%arg6 : memref<128x128xf32, #tpu.memory_space<vmem>>) offsets(%arg5 : memref<128xi32, #tpu.memory_space<vmem>>) semaphore(%arg7 : memref<!tpu.dma_semaphore, #tpu.memory_space<semaphore_mem>>)
      %dma_wait3A = arith.constant 0 : i32
      %dma_wait3A_14 = arith.constant 0 : i32
      %dma_wait3A_15 = tpu.memref_slice %arg3[%dma_wait3A, %dma_wait3A_14] : memref<100000x128xf32, #tpu.memory_space<hbm>> -> memref<100000x128xf32, #tpu.memory_space<hbm>>
      tpu.wait_indirect_dma semaphore(%arg7 : memref<!tpu.dma_semaphore, #tpu.memory_space<semaphore_mem>>) src(%dma_wait3A_15 : memref<100000x128xf32, #tpu.memory_space<hbm>>) dst(%arg6 : memref<128x128xf32, #tpu.memory_space<vmem>>)
      "tpu.region"() ({
        %run_scoped3A = tpu.sem_alloc : memref<!tpu.dma_semaphore, #tpu.memory_space<semaphore_mem>>
        %dma_start3A_16 = arith.constant 0 : i32
        %dma_start3A_17 = tpu.memref_slice %arg4[%add3A_11, %dma_start3A_16] : memref<819200x128xf32, #tpu.memory_space<hbm>> -> memref<128x128xf32, #tpu.memory_space<hbm>>
        %dma_start3A_18 = arith.constant 0 : i32
        %dma_start3A_19 = tpu.memref_slice %arg4[%add3A_11, %dma_start3A_18] : memref<819200x128xf32, #tpu.memory_space<hbm>> -> memref<128x128xf32, #tpu.memory_space<hbm>>
        tpu.enqueue_dma source(%arg6 : memref<128x128xf32, #tpu.memory_space<vmem>>) target(%dma_start3A_19 : memref<128x128xf32, #tpu.memory_space<hbm>>) target_semaphore(%run_scoped3A : memref<!tpu.dma_semaphore, #tpu.memory_space<semaphore_mem>>)
        %dma_wait3A_20 = arith.constant 0 : i32
        %dma_wait3A_21 = tpu.memref_slice %arg4[%add3A_11, %dma_wait3A_20] : memref<819200x128xf32, #tpu.memory_space<hbm>> -> memref<128x128xf32, #tpu.memory_space<hbm>>
        %dma_wait3A_22 = arith.constant 0 : i32
        %dma_wait3A_23 = tpu.memref_slice %arg4[%add3A_11, %dma_wait3A_22] : memref<819200x128xf32, #tpu.memory_space<hbm>> -> memref<128x128xf32, #tpu.memory_space<hbm>>
        tpu.wait_dma2 semaphore(%run_scoped3A : memref<!tpu.dma_semaphore, #tpu.memory_space<semaphore_mem>>) src(%arg6 : memref<128x128xf32, #tpu.memory_space<vmem>>) dst(%dma_wait3A_23 : memref<128x128xf32, #tpu.memory_space<hbm>>)
        tpu.yield
      }) : () -> ()
    }
    %scan3A_7 = arith.constant 200 : i32
    return
  }
}

module attributes {stable_mosaic.version = 14 : i64} {
  func.func @_ln_block(%arg0: i32, %arg1: memref<1000x128xf32, #tpu.memory_space<vmem>>, %arg2: memref<1x128xf32, #tpu.memory_space<vmem>>, %arg3: memref<1x128xf32, #tpu.memory_space<vmem>>, %arg4: memref<1000x128xf32, #tpu.memory_space<vmem>>) attributes {dimension_semantics = [#tpu.dimension_semantics<arbitrary>], iteration_bounds = array<i64: 100>, scalar_prefetch = 0 : i64, scratch_operands = 0 : i64, tpu.core_type = #tpu.core_type<tc>, window_params = [{transform_indices = @transform_0, window_bounds = array<i64: 1000, 128>}, {pipeline_mode = #tpu.pipeline_mode<synchronous>, transform_indices = @transform_1, window_bounds = array<i64: 1, 128>}, {pipeline_mode = #tpu.pipeline_mode<synchronous>, transform_indices = @transform_2, window_bounds = array<i64: 1, 128>}, {transform_indices = @transform_3, window_bounds = array<i64: 1000, 128>}]} {
    %get3A = arith.constant 0 : index
    %get3A_0 = arith.constant 0 : index
    %get3A_1 = vector.load %arg1[%get3A, %get3A_0] : memref<1000x128xf32, #tpu.memory_space<vmem>>, vector<1000x128xf32>
    %reduce_sum3A = arith.constant dense<0.000000e+00> : vector<1000xf32>
    %reduce_sum3A_2 = vector.multi_reduction <add>, %get3A_1, %reduce_sum3A [1] : vector<1000x128xf32> to vector<1000xf32>
    %broadcast_in_dim3A = vector.shape_cast %reduce_sum3A_2 : vector<1000xf32> to vector<1000x1xf32>
    %div3A = arith.constant 1.280000e+02 : f32
    %div3A_3 = vector.broadcast %div3A : f32 to vector<1000x1xf32>
    %div3A_4 = arith.divf %broadcast_in_dim3A, %div3A_3 : vector<1000x1xf32>
    %sub3A = vector.broadcast %div3A_4 : vector<1000x1xf32> to vector<1000x128xf32>
    %sub3A_5 = arith.subf %get3A_1, %sub3A : vector<1000x128xf32>
    %mul3A = arith.mulf %sub3A_5, %sub3A_5 : vector<1000x128xf32>
    %reduce_sum3A_6 = arith.constant dense<0.000000e+00> : vector<1000xf32>
    %reduce_sum3A_7 = vector.multi_reduction <add>, %mul3A, %reduce_sum3A_6 [1] : vector<1000x128xf32> to vector<1000xf32>
    %broadcast_in_dim3A_8 = vector.shape_cast %reduce_sum3A_7 : vector<1000xf32> to vector<1000x1xf32>
    %div3A_9 = arith.constant 1.280000e+02 : f32
    %div3A_10 = vector.broadcast %div3A_9 : f32 to vector<1000x1xf32>
    %div3A_11 = arith.divf %broadcast_in_dim3A_8, %div3A_10 : vector<1000x1xf32>
    %add3A = arith.constant 9.99999974E-6 : f32
    %add3A_12 = vector.broadcast %add3A : f32 to vector<1000x1xf32>
    %add3A_13 = arith.addf %div3A_11, %add3A_12 : vector<1000x1xf32>
    %rsqrt3A = math.rsqrt %add3A_13 : vector<1000x1xf32>
    %mul3A_14 = vector.broadcast %rsqrt3A : vector<1000x1xf32> to vector<1000x128xf32>
    %mul3A_15 = arith.mulf %sub3A_5, %mul3A_14 : vector<1000x128xf32>
    %get3A_16 = arith.constant 0 : index
    %get3A_17 = arith.constant 0 : index
    %get3A_18 = vector.load %arg2[%get3A_16, %get3A_17] : memref<1x128xf32, #tpu.memory_space<vmem>>, vector<1x128xf32>
    %mul3A_19 = vector.broadcast %get3A_18 : vector<1x128xf32> to vector<1000x128xf32>
    %mul3A_20 = arith.mulf %mul3A_15, %mul3A_19 : vector<1000x128xf32>
    %get3A_21 = arith.constant 0 : index
    %get3A_22 = arith.constant 0 : index
    %get3A_23 = vector.load %arg3[%get3A_21, %get3A_22] : memref<1x128xf32, #tpu.memory_space<vmem>>, vector<1x128xf32>
    %add3A_24 = vector.broadcast %get3A_23 : vector<1x128xf32> to vector<1000x128xf32>
    %add3A_25 = arith.addf %mul3A_20, %add3A_24 : vector<1000x128xf32>
    %swap3A = arith.constant 0 : index
    %swap3A_26 = arith.constant 0 : index
    %swap3A_27 = vector.load %arg4[%swap3A, %swap3A_26] : memref<1000x128xf32, #tpu.memory_space<vmem>>, vector<1000x128xf32>
    tpu.vector_store %arg4[%swap3A, %swap3A_26], %add3A_25 {strides = array<i32>} : memref<1000x128xf32, #tpu.memory_space<vmem>>, vector<1000x128xf32>,
    return
  }
  func.func @transform_0(%arg0: i32) -> (i32, i32) {
    %c0_i32 = arith.constant 0 : i32
    %c0_i32_0 = arith.constant 0 : i32
    return %arg0, %c0_i32 : i32, i32
  }
  func.func @transform_1(%arg0: i32) -> (i32, i32) {
    %c0_i32 = arith.constant 0 : i32
    %c0_i32_0 = arith.constant 0 : i32
    %c0_i32_1 = arith.constant 0 : i32
    return %c0_i32, %c0_i32_0 : i32, i32
  }
  func.func @transform_2(%arg0: i32) -> (i32, i32) {
    %c0_i32 = arith.constant 0 : i32
    %c0_i32_0 = arith.constant 0 : i32
    %c0_i32_1 = arith.constant 0 : i32
    return %c0_i32, %c0_i32_0 : i32, i32
  }
  func.func @transform_3(%arg0: i32) -> (i32, i32) {
    %c0_i32 = arith.constant 0 : i32
    %c0_i32_0 = arith.constant 0 : i32
    return %arg0, %c0_i32 : i32, i32
  }
}

</mosaic_0001>

<sc_bundles>
// kernel: kernel.4.cloned.1.call-start
scs
__scs_entry_jumppad:
0x0: {  	(pc) =	sbr.rel $0x88, $3  }
0x1: {  	(tag) =	ssettag $0x0;
	lr =	simm.s32 $0x1  }
0x2: {  	[smem:$0x3F9D] =	sst lr;
	_ =	strace $0xD0000000  }
0x3: {  	_ = 	snop  }
0x4: {  	_ = 	snop  }
0x5: {  	_ = 	snop  }
0x6: {  	_ = 	snop  }
0x7: {  	_ = 	snop  }
__scs_overlays_trampoline_lowered:
0x8: {  	[smem:$0x3FAC] =	sst s0  }
0x9: {  	[smem:$0x3FAD] =	sst s1  }
0xa: {  	[smem:$0x3FAE] =	sst s2  }
0xb: {  	[smem:$0x3FAF] =	sst s3  }
0xc: {  	[smem:$0x3FB0] =	sst s4  }
0xd: {  	[smem:$0x3FB1] =	sst s5  }
0xe: {  	[smem:$0x3FB2] =	sst s6  }
0xf: {  	[smem:$0x3FB3] =	sst s7  }
0x10: {  	[smem:$0x3FB4] =	sst s8  }
0x11: {  	[smem:$0x3FB5] =	sst s9;
	s0 =	simm.s32 @!p0 $0x0  }
0x12: {  	s1 =	sld [smem:$0x3F9B];
	s0 =	simm.s32 @p0 $0x1  }
0x13: {  	[smem:$0x3FB6] =	sst s0;
	s0 =	simm.s32 @!p1 $0x0  }
0x14: {  	s2 =	sld [smem:$0x3F9A];
	s0 =	simm.s32 @p1 $0x1  }
0x15: {  	[smem:$0x3FB7] =	sst s0;
	s0 =	simm.s32 @!p2 $0x0  }
0x16: {  	s3 =	sld [smem:$0x3FDB];
	s0 =	simm.s32 @p2 $0x1  }
0x17: {  	s4 =	simm.s32 $0x1BF5;
	[smem:$0x3FB9] =	sst s0  }
0x18: {  	s0 =	sld [smem:$0x3F9C];
	_ =	swait.ge [sflag:s4], $0x0  }
0x19: {  	s7 =	sld [smem:$0x3F9D]  }
0x1a: {  	s8 =	sadd.s32 $0xFFFFE003, lr  }
0x1b: {  	s9 =	sadd.s32 $0xFFFFFEF7, lr;
	s5 =	simm.s32 $0xFFFFFFFF;
	p2 =	slt.u32 s8, $0xFFFFF086  }
0x1c: {  	p1 =	slt.u32 s9, $0xF7A;
	s5 =	simm.s32 @!p2 $0x0  }
0x1d: {  	s5 =	simm.s32 @p1 $0x1;
	p0 =	seq.s32 s7, s2  }
0x1e: {  	s7 =	smul.u32 @!p0 $0xF7A, s2;
	p2 =	seq.s32 @!p0 s5, $0x0  }
0x1f: {  	s9 =	smul.u32 $0xF7A, s1;
	s8 =	simm.s32 @!p0 $0x1BF5;
	p2 =	por !p2, p0  }
0x20: {  	[sflag:s8] =	ssyncset.s32 @!p0 $0xFFFFF086;
	s6 =	sadd.s32 @!p0 s3, s7;
	s7 =	simm.s32 @!p0 $0x108  }
0x21: {  	s3 =	sadd.s32 s3, s9;
	s6 =	sadd.s32 @!p0 $0x88, s6;
	s7 =	simm.s32 @p2 $0x1082  }
0x22: {  	[simem:s7], [sflag:s8] =	dma.local @!p0 [hbm:s6], $0xF7A  }
0x23: {  	s9 =	sor.u32 $0xD0000000, s2;
	s6 =	simm.s32 $0x108;
	_ =	swait.ge @!p0 [sflag:s8], $0x0  }
0x24: {  	s3 =	sadd.s32 $0x88, s3;
	s6 =	simm.s32 @!p1 $0x1082;
	[sflag:s4] =	ssyncset.s32 $0xFFFFF086  }
0x25: {  	[simem:s6], [sflag:s4] =	dma.local [hbm:s3], $0xF7A  }
0x26: {  	[smem:$0x3F9D] =	sst s1;
	(tag) =	ssettag s2;
	_ =	strace s9  }
0x27: {  	s1 =	sld [smem:$0x3FAD]  }
0x28: {  	s2 =	sld [smem:$0x3FAE]  }
0x29: {  	s4 =	sld [smem:$0x3FB0]  }
0x2a: {  	p0 =	seq.s32 s5, $0x0;
	s5 =	sld [smem:$0x3FB1]  }
0x2b: {  	s6 =	sld [smem:$0x3FB2]  }
0x2c: {  	s7 =	sld [smem:$0x3FB3]  }
0x2d: {  	s3 =	simm.s32 $0x108;
	s8 =	sld [smem:$0x3FB4]  }
0x2e: {  	s3 =	simm.s32 @!p0 $0x1082;
	s9 =	sld [smem:$0x3FB5]  }
0x2f: {  	lr =	sadd.s32 s0, s3;
	s0 =	sld [smem:$0x3FAC]  }
0x30: {  	s3 =	sld [smem:$0x3FAF]  }
0x31: {  	[smem:$0x3FB8] =	sst s10  }
0x32: {  	s10 =	sld [smem:$0x3FB6];
	_ =	sdelay $0x3  }
0x33: {  	p0 =	seq.s32 s10, $0x1;
	s10 =	sld [smem:$0x3FB8];
	_ =	sdelay $0x3  }
0x34: {  	[smem:$0x3FB8] =	sst s10  }
0x35: {  	s10 =	sld [smem:$0x3FB7];
	_ =	sdelay $0x3  }
0x36: {  	p1 =	seq.s32 s10, $0x1;
	s10 =	sld [smem:$0x3FB8];
	_ =	sdelay $0x3  }
0x37: {  	[smem:$0x3FB8] =	sst s10  }
0x38: {  	s10 =	sld [smem:$0x3FB9]  }
0x39: {  	_ = 	snop;
	(pc) =	sbr.ind lr, $3  }
0x3a: {  	_ = 	snop  }
0x3b: {  	_ = 	snop  }
0x3c: {  	p2 =	seq.s32 s10, $0x1;
	s10 =	sld [smem:$0x3FB8]  }
0x3d: {  	_ =	shalt  }
0x3e: {  	_ =	shalt  }
0x3f: {  	_ =	shalt  }
0x40: {  	_ =	shalt  }
0x41: {  	_ =	shalt  }
0x42: {  	_ =	shalt  }
0x43: {  	_ =	shalt  }
0x44: {  	_ =	shalt  }
0x45: {  	_ =	shalt  }
0x46: {  	_ =	shalt  }
0x47: {  	_ =	shalt  }
0x48: {  	_ =	shalt  }
0x49: {  	_ =	shalt  }
0x4a: {  	_ =	shalt  }
0x4b: {  	_ =	shalt  }
0x4c: {  	_ =	shalt  }
0x4d: {  	_ =	shalt  }
0x4e: {  	_ =	shalt  }
0x4f: {  	_ =	shalt  }
0x50: {  	_ =	shalt  }
0x51: {  	_ =	shalt  }
0x52: {  	_ =	shalt  }
0x53: {  	_ =	shalt  }
0x54: {  	_ =	shalt  }
0x55: {  	_ =	shalt  }
0x56: {  	_ =	shalt  }
0x57: {  	_ =	shalt  }
0x58: {  	_ =	shalt  }
0x59: {  	_ =	shalt  }
0x5a: {  	_ =	shalt  }
0x5b: {  	_ =	shalt  }
0x5c: {  	_ =	shalt  }
0x5d: {  	_ =	shalt  }
0x5e: {  	_ =	shalt  }
0x5f: {  	_ =	shalt  }
0x60: {  	_ =	shalt  }
0x61: {  	_ =	shalt  }
0x62: {  	_ =	shalt  }
0x63: {  	_ =	shalt  }
0x64: {  	_ =	shalt  }
0x65: {  	_ =	shalt  }
0x66: {  	_ =	shalt  }
0x67: {  	_ =	shalt  }
0x68: {  	_ =	shalt  }
0x69: {  	_ =	shalt  }
0x6a: {  	_ =	shalt  }
0x6b: {  	_ =	shalt  }
0x6c: {  	_ =	shalt  }
0x6d: {  	_ =	shalt  }
0x6e: {  	_ =	shalt  }
0x6f: {  	_ =	shalt  }
0x70: {  	_ =	shalt  }
0x71: {  	_ =	shalt  }
0x72: {  	_ =	shalt  }
0x73: {  	_ =	shalt  }
0x74: {  	_ =	shalt  }
0x75: {  	_ =	shalt  }
0x76: {  	_ =	shalt  }
0x77: {  	_ =	shalt  }
0x78: {  	_ =	shalt  }
0x79: {  	_ =	shalt  }
0x7a: {  	_ =	shalt  }
0x7b: {  	_ =	shalt  }
0x7c: {  	_ =	shalt  }
0x7d: {  	_ =	shalt  }
0x7e: {  	_ =	shalt  }
0x7f: {  	_ =	shalt  }
0x80: {  	_ =	shalt  }
0x81: {  	_ =	shalt  }
0x82: {  	_ =	shalt  }
0x83: {  	_ =	shalt  }
0x84: {  	_ =	shalt  }
0x85: {  	_ =	shalt  }
0x86: {  	_ =	shalt  }
0x87: {  	_ =	shalt  }
.Lfunc_end0:
.L_simem_size_0:
called_computation_lowered:
.L_overlay_start_0:
0x88: {  	s2 =	sld [smem:$0x3FD9]  }
0x89: {  	s3 =	sld [smem:$0x3FFE];
	_ =	sdelay $0x1  }
0x8a: {  	s1 =	srdreg.scid  }
0x8b: {  	s0 =	sand.u32 $0x1, s1  }
0x8c: {  	s17 =	sshll.u32 s0, $0xA;
	s2 =	sadd.s32 s3, s2  }
0x8d: {  	s2 =	sadd.s32 s2, s17  }
0x8e: {  	[smem:$0x3FC4] =	sst s2  }
0x8f: {  	_ = 	snop  }
0x90: {  	s2 =	sld [smem:$0x3FD0];
	(tm) =	ssettm $0x1  }
0x91: {  	s18 =	sld [smem:$0x3FFB];
	_ =	sdelay $0x3  }
0x92: {  	_ =	strace s18  }
0x93: {  	s3 =	sld [smem:$0x3FFC];
	_ =	sdelay $0x3  }
0x94: {  	_ =	strace s3  }
0x95: {  	s3 =	sld [smem:$0x3FFD];
	_ =	sdelay $0x3  }
0x96: {  	_ =	strace s3  }
0x97: {  	_ =	strace $0x8FFFFFFF  }
0x98: {  	s19 =	sld [smem:$0x3FDB];
	_ =	sdelay $0x1  }
0x99: {  	s4 =	simm.s32 $_scs_section_size  }
0x9a: {  	s5 =	simm.s32 $_size__tile_overlayer_lowered;
	s6 =	simm.s32 $_tile_overlayer_lowered  }
0x9b: {  	s22 =	simm.s32 $0x1BFF;
	s21 =	sshll.u32 s6, $0x1;
	s3 =	sadd.s32 s4, s19  }
0x9c: {  	s7 =	simm.s32 $0x0;
	s20 =	sshll.u32 s5, $0x1;
	s5 =	sadd.s32 s21, s3  }
0x9d: {  	[timem:s7], [sflag:s22] =	dma.local [hbm:s5], s20  }
0x9e: {  	_ =	swait.ge [sflag:s22], s20  }
0x9f: {  	s4 =	ssub.s32 $0x0, s20;
	[sflag:s22] =	ssyncset.done $0x0  }
0xa0: {  	[sflag:s22] =	ssyncadd.s32 s4;
	_ =	sdelay $0x1  }
0xa1: {  	s23 =	simm.s32 $0x1B8B  }
0xa2: {  	_ =	swait.ge [sflag:s23], $0x1  }
0xa3: {  	[sflag:s23] =	ssyncset.done $0x0  }
0xa4: {  	s25 =	simm.s32 $0x1B8E;
	s24 =	sld [smem:$0x3FFE];
	[sflag:s23] =	ssyncadd.s32 $0xFFFFFFFF  }
0xa5: {  	s26 =	simm.s32 $execute0_lowered;
	[smem:$0x3FD2] =	sst s25  }
0xa6: {  	s5 =	sshll.u32 s26, $0x1;
	_ =	strace $0x80000046;
	[dreg:$0x1] =	wrdreg $0xFFFFFFFF  }
0xa7: {  	s28 =	simm.s32 $_size_execute0_lowered;
	s3 =	sadd.s32 s3, s5;
	[dreg:$0x0] =	wrdreg $0x0  }
0xa8: {  	s5 =	sshll.u32 s28, $0x1;
	[dreg:$0x2] =	wrdreg s3  }
0xa9: {  	[dreg:$0x3] =	wrdreg s5  }
0xaa: {  	[dreg:$0x4] =	wrdreg $0xC0  }
0xab: {  	_ =	task [dreg:s7], $0x5FFFF  }
0xac: {  	[dreg:$0x1] =	wrdreg $0xFFFFFFFF  }
0xad: {  	[dreg:$0x0] =	wrdreg $0x60  }
0xae: {  	[dreg:$0x2] =	wrdreg s24  }
0xaf: {  	[dreg:$0x3] =	wrdreg s2  }
0xb0: {  	[dreg:$0x4] =	wrdreg $0x9  }
0xb1: {  	_ =	task.clear_ibuf [dreg:s7], $0x5FFFF;
	_ =	strace $0x90000046  }
0xb2: {  	s29 =	simm.s32 $0x9;
	_ =	strace $0x80000048  }
0xb3: {  	_ =	swait.ge [sflag:s29], $0x1  }
0xb4: {  	[sflag:s29] =	ssyncadd.s32 $0xFFFFFFFF  }
0xb5: {  	_ =	strace $0x90000048  }
0xb6: {  	_ =	sfence  }
0xb7: {  	s30 =	sld [smem:$0x0];
	_ =	sdelay $0x2  }
0xb8: {  	s31 =	sshll.u32 s1, $0xD;
	s1 =	sshrl.u32 s1, $0x2  }
0xb9: {  	s3 =	sand.u32 $0x4000, s31;
	s1 =	sadd.s32 s1, s30  }
0xba: {  	s0 =	sor.u32 s3, s0;
	s1 =	sshll.u32 s1, $0x11  }
0xbb: {  	s0 =	sor.u32 s1, s0  }
0xbc: {  	s0 =	sadd.s32 $0x8F2B, s0  }
0xbd: {  	[sflag:s0] =	ssyncadd.remote.s32 $0x1  }
0xbe: {  	_ =	sfence.sel $0xFFFF  }
0xbf: {  	[dreg:$0x0] =	wrdreg $0xFFFFFFFF;
	(pc) =	sbr.abs _section_cstart, $3  }
0xc0: {  	[dreg:$0x1] =	wrdreg $0xFFFFFFFF  }
0xc1: {  	_ =	task.clear_ibuf [dreg:s7], $0x2FFFF;
	_ =	strace $0x9FFFFFFF  }
0xc2: {  	(tm) =	ssettm $0x7FFFFFFF  }
0xc3: {  	_ =	shalt  }
tec
execute0_lowered:
.L_overlay_start_1:
0x0: {  	(tag) =	ssettag $0x1  }
0x1: {  	s3 =	rddreg [dreg:$0x0];
	s1 =	srdreg.scid  }
0x2: {  	s0 =	stileid.u32;
	s5 =	rddreg [dreg:$0x1]  }
0x3: {  	s2 =	simm.s32 $0x0;
	s10 =	simm.s32 $0x0;
	s6 =	smul.u32 $0xC800, s0  }
0x4: {  	s4 =	sand.u32 $0x1, s1;
	s1 =	rddreg [dreg:$0x2];
	s9 =	smul.u32 $0xC8000, s0  }
0x5: {  	[smem:$0x7FF] =	sst s2;
	s7 =	smul.u32 $0x6400, s4;
	s30 =	ssub.s32 $0x2, s4  }
0x6: {  	_ =	strace $0x80000047;
	s31 =	smul.u32 $0x64000, s4;
	s8 =	sshrl.u32 s30, $0x1  }
0x7: {  	s5 =	sadd.s32 s9, s5;
	s9 =	simm.s32 $0x1;
	s6 =	sadd.s32 s7, s6  }
0x8: {  	s7 =	ssub.s32 s30, s8;
	s5 =	sadd.s32 s31, s5;
	s6 =	sshrl.u32 s6, $0x3  }
0x9: {  	s8 =	simm.s32 $0x80;
	s4 =	smax.u32 s7, $0x1;
	s6 =	sadd.s32 s6, s3  }
0xa: {  	s7 =	simm.s32 $0x2;
	s3 =	sadd.s32 $0x19800, s3;
	s6 =	sadd.s32 $0x800, s6  }
.LBB2_1:
0xb: {  	s11 =	sadd.s32 $0x0, s6  }
0xc: {  	[tilespmem:s2], [sflag:$0x2] =	stream.linear.gather [hbm4b:s11+s2], $0x80, $0x38;
	[tilespmem:$0x4080] =	vst v63  }
0xd: {  	_ =	swait.ge [sflag:s7], $0x80  }
0xe: {  	[sflag:s7] =	ssyncset.done $0x0  }
0xf: {  	[sflag:s7] =	ssyncadd.s32 $0xFFFFFF80  }
0x10: {  	[tilespmem:s8], [sflag:$0x1] =	stream.indirect.gather [hbm4b:s3+s8], $0x80, s2, s8, $0xb8;
	[tilespmem:$0x4080] =	vst v63  }
0x11: {  	_ =	swait.ge [sflag:s9], $0x4000  }
0x12: {  	[sflag:s9] =	ssyncset.done $0x0  }
0x13: {  	[sflag:s9] =	ssyncadd.s32 $0xFFFFC000  }
0x14: {  	[hbm4b:s5+s2] =	stream.linear.scatter [tilespmem:s8], [sflag:$0x2], $0x4000, $0x38;
	[tilespmem:$0x4080] =	vst v63  }
0x15: {  	s12 =	simm.s32 $0x10;
	_ =	swait.ge [sflag:s7], $0x4000  }
0x16: {  	s13 =	simm.s32 $0x20;
	s11 =	sadd.s32 $0x800, s5;
	[sflag:s7] =	ssyncset.done $0x0  }
.LBB2_2:
0x17: {  	s14 =	sadd.s32 s12, s6  }
0x18: {  	[sflag:s7] =	ssyncadd.s32 $0xFFFFC000;
	s12 =	smov.u32 s13;
	s15 =	sadd.s32 $0x10, s13  }
0x19: {  	[tilespmem:s2], [sflag:$0x2] =	stream.linear.gather [hbm4b:s14+s2], $0x80, $0x38;
	[tilespmem:$0x4080] =	vst v63  }
0x1a: {  	p0 =	sne.s32 s13, $0xC70;
	_ =	swait.ge [sflag:s7], $0x80  }
0x1b: {  	[sflag:s7] =	ssyncset.done $0x0  }
0x1c: {  	[sflag:s7] =	ssyncadd.s32 $0xFFFFFF80  }
0x1d: {  	[tilespmem:s8], [sflag:$0x1] =	stream.indirect.gather [hbm4b:s3+s8], $0x80, s2, s8, $0xb8;
	[tilespmem:$0x4080] =	vst v63  }
0x1e: {  	_ =	swait.ge [sflag:s9], $0x4000  }
.Ltmp0:
0x1f: {  	[sflag:s9] =	ssyncset.done $0x0;
	(pc) =	sbr.rel @p0 .LBB2_2-.Ltmp0, $4  }
0x20: {  	[sflag:s9] =	ssyncadd.s32 $0xFFFFC000  }
0x21: {  	[hbm4b:s11+s2] =	stream.linear.scatter [tilespmem:s8], [sflag:$0x2], $0x4000, $0x38;
	[tilespmem:$0x4080] =	vst v63  }
0x22: {  	_ =	swait.ge [sflag:s7], $0x4000  }
0x23: {  	s13 =	smov.u32 s15;
	s11 =	sadd.s32 $0x800, s11;
	[sflag:s7] =	ssyncset.done $0x0  }
0x24: {  	s12 =	sadd.s32 s12, s6;
	[sflag:s7] =	ssyncadd.s32 $0xFFFFC000  }
0x25: {  	[tilespmem:s2], [sflag:$0x2] =	stream.linear.gather [hbm4b:s12+s2], $0x80, $0x38;
	[tilespmem:$0x4080] =	vst v63  }
0x26: {  	_ =	swait.ge [sflag:s7], $0x80  }
0x27: {  	[sflag:s7] =	ssyncset.done $0x0  }
0x28: {  	[sflag:s7] =	ssyncadd.s32 $0xFFFFFF80  }
0x29: {  	[tilespmem:s8], [sflag:$0x1] =	stream.indirect.gather [hbm4b:s3+s8], $0x80, s2, s8, $0xb8;
	[tilespmem:$0x4080] =	vst v63  }
0x2a: {  	s10 =	sadd.s32 $0x1, s10;
	_ =	swait.ge [sflag:s9], $0x4000  }
0x2b: {  	p0 =	sne.s32 s10, s4;
	[sflag:s9] =	ssyncset.done $0x0  }
.Ltmp1:
0x2c: {  	[sflag:s9] =	ssyncadd.s32 $0xFFFFC000;
	(pc) =	sbr.rel @p0 .LBB2_1-.Ltmp1, $4  }
0x2d: {  	[hbm4b:s11+s2] =	stream.linear.scatter [tilespmem:s8], [sflag:$0x2], $0x4000, $0x38;
	[tilespmem:$0x4080] =	vst v63  }
0x2e: {  	_ =	swait.ge [sflag:s7], $0x4000  }
0x2f: {  	[sflag:s7] =	ssyncset.done $0x0  }
0x30: {  	[sflag:s7] =	ssyncadd.s32 $0xFFFFC000  }
0x31: {  	_ =	sfence.sel $0x180000  }
0x32: {  	[bflag:$0x0] =	sbarrier.arrive $0xFFFF  }
0x33: {  	p0 =	sne.s32 s0, $0x0;
	_ =	strace $0x90000047  }
0x34: {  	s0 =	sadd.s32 @!p0 $0x100000, s1;
	[bflag:$0x2] =	sbarrier.arrive $0xFFFF  }
0x35: {  	[sflag:s0] =	ssyncadd.tile.s32 @!p0 $0x1;
	_ =	shalt  }
.Lfunc_end2:
_tile_overlayer_lowered:
.L_overlay_start_2:
0x36: {  	(tag) =	ssettag $0x2  }
0x37: {  	s0 =	rddreg [dreg:$0x0];
	s2 =	stileid.u32  }
0x38: {  	s1 =	rddreg [dreg:$0x1];
	p0 =	sne.s32 s2, $0x0  }
0x39: {  	s3 =	rddreg [dreg:$0x2];
	[bflag:$0x3] =	sbarrier.arrive $0xFFFF;
	s2 =	simm.s32 @!p0 $0x1C02  }
0x3a: {  	[timem:s3], [sflag:s2] =	dma.local @!p0 [hbm:s0], s1  }
0x3b: {  	s0 =	simm.s32 @!p0 $0x2  }
0x3c: {  	_ =	swait.ge @!p0 [sflag:s0], s1  }
0x3d: {  	s1 =	ssub.s32 @!p0 $0x0, s1;
	[sflag:s0] =	ssyncset.done @!p0 $0x0  }
0x3e: {  	[sflag:s0] =	ssyncadd.s32 @!p0 s1  }
0x3f: {  	[bflag:$0x3] =	sbarrier.arrive $0xFFFF  }
0x40: {  	_ =	shalt  }

</sc_bundles>
